<compile_context>
chip_gen: v7x
topology: tpu7x:2x2x1
jax: 0.10.2.dev20260603
libtpu: 0.0.44.dev20260713+nightly
codegen_flags: <defaults>
</compile_context>

<pallas_src>
import functools

import jax
import jax.numpy as jnp
from jax import lax
from jax.experimental import pallas as pl
from jax.experimental.pallas import tpu as pltpu
from jax.experimental.pallas import tpu_sc as plsc

_K = 8192
_D = 256
_B = 8
_HW = 1024
_T = _B * _HW
_CODE_TILE = 512
_NSTEP = _K // _CODE_TILE

_NW = 32
_BPW = _T // _NW


def _argmin_body(z_ref, cb_ref, idx_ref, zn_ref, minv_ref, mini_ref):
    j = pl.program_id(1)
    zb = z_ref[0]

    @pl.when(j == 0)
    def _init():
        t = zb * zb
        n = _D
        while n > 1:
            n //= 2
            t = t[:n] + t[n:]
        zn_ref[...] = t
        minv_ref[...] = jnp.full((1, _HW), jnp.inf, jnp.float32)
        mini_ref[...] = jnp.zeros((1, _HW), jnp.int32)

    cb = cb_ref[...]
    cn = jnp.sum(cb * cb, axis=1, keepdims=True)
    s = lax.dot_general(
        cb.astype(jnp.bfloat16), zb.astype(jnp.bfloat16),
        (((1,), (0,)), ((), ())),
        preferred_element_type=jnp.float32)
    d = (zn_ref[...] + cn) - 2.0 * s

    m = jnp.min(d, axis=0, keepdims=True)
    rows = lax.broadcasted_iota(jnp.int32, (_CODE_TILE, _HW), 0) + j * _CODE_TILE
    cand = jnp.min(jnp.where(d == m, rows, jnp.int32(2**30)),
                   axis=0, keepdims=True)
    better = m < minv_ref[...]
    mini_ref[...] = jnp.where(better, cand, mini_ref[...])
    minv_ref[...] = jnp.where(better, m, minv_ref[...])

    @pl.when(j == _NSTEP - 1)
    def _flush():
        idx_ref[...] = mini_ref[...][None]


def _compute_indices(z3, codebook):
    out = pl.pallas_call(
        _argmin_body,
        grid=(_B, _NSTEP),
        in_specs=[
            pl.BlockSpec((1, _D, _HW), lambda b, j: (b, 0, 0)),
            pl.BlockSpec((_CODE_TILE, _D), lambda b, j: (j, 0)),
        ],
        out_specs=pl.BlockSpec((1, 1, _HW), lambda b, j: (b, 0, 0)),
        out_shape=jax.ShapeDtypeStruct((_B, 1, _HW), jnp.int32),
        scratch_shapes=[
            pltpu.VMEM((1, _HW), jnp.float32),
            pltpu.VMEM((1, _HW), jnp.float32),
            pltpu.VMEM((1, _HW), jnp.int32),
        ],
        compiler_params=pltpu.CompilerParams(
            dimension_semantics=("arbitrary", "arbitrary")),
    )(z3, codebook)
    return out.reshape(_T)


def _sc_body(cb_hbm, idx_hbm, q_hbm, hist_hbm, idx_v, rows_v, cnt_v, sem):
    wid = lax.axis_index("s") * 2 + lax.axis_index("c")
    base = wid * _BPW
    pltpu.sync_copy(idx_hbm.at[pl.ds(base, _BPW)], idx_v)
    pltpu.async_copy(cb_hbm.at[idx_v], rows_v, sem).wait()
    pltpu.sync_copy(rows_v, q_hbm.at[pl.ds(base, _BPW)])

    zeros16 = jnp.zeros((16,), jnp.int32)

    def _zero(i, c):
        cnt_v[pl.ds(i * 16, 16)] = zeros16
        return c

    lax.fori_loop(0, _K // 16, _zero, 0)

    ones16 = jnp.ones((16,), jnp.int32)

    def _acc(i, c):
        iv = idx_v[pl.ds(i * 16, 16)]
        plsc.addupdate_scatter(cnt_v, [iv], ones16)
        return c

    lax.fori_loop(0, _BPW // 16, _acc, 0)
    pltpu.sync_copy(cnt_v, hist_hbm.at[wid])


@functools.cache
def _make_sc_gather():
    return pl.kernel(
        _sc_body,
        mesh=plsc.VectorSubcoreMesh(core_axis_name="c", subcore_axis_name="s"),
        out_type=[
            jax.ShapeDtypeStruct((_T, _D), jnp.float32),
            jax.ShapeDtypeStruct((_NW, _K), jnp.int32),
        ],
        scratch_types=[
            pltpu.VMEM((_BPW,), jnp.int32),
            pltpu.VMEM((_BPW, _D), jnp.float32),
            pltpu.VMEM((_K,), jnp.int32),
            pltpu.SemaphoreType.DMA,
        ],
        compiler_params=pltpu.CompilerParams(needs_layout_passes=False),
    )


def _sc_gather(codebook, indices):
    return _make_sc_gather()(codebook, indices)


def _final_body(z_ref, q_ref, hist_ref, qst_ref, loss_ref, perp_ref, acc_ref):
    b = pl.program_id(0)
    zb = z_ref[0]
    qT = q_ref[0].T
    qst_ref[0] = zb + (qT - zb)
    diff = zb - qT
    part = jnp.sum(diff * diff)

    @pl.when(b == 0)
    def _first():
        acc_ref[0, 0] = part

    @pl.when(b > 0)
    def _rest():
        acc_ref[0, 0] = acc_ref[0, 0] + part

    @pl.when(b == _B - 1)
    def _emit():
        loss_ref[...] = jnp.full((1, 1), acc_ref[0, 0] / jnp.float32(_T * _D),
                                 jnp.float32)
        counts = jnp.sum(hist_ref[...], axis=0)
        p = counts.astype(jnp.float32) * jnp.float32(1.0 / _T)
        logp = jnp.log(jnp.maximum(p, jnp.float32(1e-10)))
        ent = jnp.sum(p * logp)
        perp_ref[...] = jnp.full((1, 1), jnp.exp(-ent), jnp.float32)


def _finalize(z3, q_flat, hist):
    q3 = q_flat.reshape(_B, _HW, _D)
    qst, loss, perp = pl.pallas_call(
        _final_body,
        grid=(_B,),
        in_specs=[
            pl.BlockSpec((1, _D, _HW), lambda b: (b, 0, 0)),
            pl.BlockSpec((1, _HW, _D), lambda b: (b, 0, 0)),
            pl.BlockSpec((_NW, _K), lambda b: (0, 0)),
        ],
        out_specs=[
            pl.BlockSpec((1, _D, _HW), lambda b: (b, 0, 0)),
            pl.BlockSpec((1, 1), lambda b: (0, 0)),
            pl.BlockSpec((1, 1), lambda b: (0, 0)),
        ],
        out_shape=[
            jax.ShapeDtypeStruct((_B, _D, _HW), jnp.float32),
            jax.ShapeDtypeStruct((1, 1), jnp.float32),
            jax.ShapeDtypeStruct((1, 1), jnp.float32),
        ],
        scratch_shapes=[pltpu.SMEM((1, 1), jnp.float32)],
        compiler_params=pltpu.CompilerParams(
            dimension_semantics=("arbitrary",)),
    )(z3, q3, hist)
    return qst, loss, perp


def kernel(z, codebook):
    B, C, H, W = z.shape
    z3 = z.reshape(B, C, H * W)
    indices = _compute_indices(z3, codebook)
    q_flat, hist = _sc_gather(codebook, indices)
    qst3, loss, perp = _finalize(z3, q_flat, hist)
    quantized_st = qst3.reshape(B, C, H, W)
    loss_s = loss.reshape(())
    perp_s = perp.reshape(())
    return (quantized_st, indices, perp_s, loss_s, loss_s)

# --- scband reference (transcript-rebuilt; emitter-appended) ---
"""Pipeline reference for scband-vector-quantizer-36867999269233 (READ-ONLY COPY).

The authoritative reference and input builder live on the scoring server;
editing this copy changes nothing except your own understanding.
"""

import jax, jax.numpy as jnp
import numpy as np

CODEBOOK_NUM = 8192
CODEBOOK_DIM = 256

def setup_inputs(seed: int = 0) -> dict:
    key = jax.random.key(seed)
    kz, kc = jax.random.split(key)
    z = jax.random.normal(kz, (8, 256, 32, 32), dtype=jnp.float32)
    codebook = jax.random.uniform(kc, (CODEBOOK_NUM, CODEBOOK_DIM), dtype=jnp.float32,
                                  minval=-1.0 / CODEBOOK_NUM, maxval=1.0 / CODEBOOK_NUM)
    return {"z": z, "codebook": codebook}

def reference(z, codebook):
    B, C, H, W = z.shape
    flat_z = jnp.transpose(z, (0, 2, 3, 1)).reshape(-1, C)
    # l2_norm=False -> identity norm_fn
    codebook_weight = codebook
    dists = (jnp.sum(flat_z ** 2, axis=1, keepdims=True)
             + jnp.sum(codebook_weight ** 2, axis=1)
             - 2.0 * flat_z @ codebook_weight.T)
    indices = jnp.argmin(dists, axis=1)
    quantized_z = jnp.take(codebook, indices, axis=0).reshape(B, H, W, C)
    quantized_z = jnp.transpose(quantized_z, (0, 3, 1, 2))
    loss_vq = jnp.mean((jax.lax.stop_gradient(z) - quantized_z) ** 2)
    loss_commit = jnp.mean((z - jax.lax.stop_gradient(quantized_z)) ** 2)
    quantized_st = z + jax.lax.stop_gradient(quantized_z - z)
    indices_one_hot = jax.nn.one_hot(indices, CODEBOOK_NUM, dtype=jnp.float32)
    probs = jnp.mean(indices_one_hot, axis=0)
    perplexity = jnp.exp(-jnp.sum(probs * jnp.log(jnp.clip(probs, 1e-10, None))))
    return (quantized_st, indices, perplexity, loss_vq, loss_commit)

if __name__ == "__main__":
    import jax
    _d = setup_inputs()
    print(jax.jit(kernel)(*tuple(_d.values())))

</pallas_src>

<mosaic_0001>
#map = affine_map<(d0, d1) -> (0, 0)>
#map1 = affine_map<(d0, d1) -> (0)>
module attributes {stable_mosaic.version = 14 : i64} {
  func.func @_sc_body(%arg0: i32, %arg1: i32, %arg2: memref<8192x256xf32, #tpu.memory_space<hbm>>, %arg3: memref<8192xi32, #tpu.memory_space<hbm>>, %arg4: memref<8192x256xf32, #tpu.memory_space<hbm>>, %arg5: memref<32x8192xi32, #tpu.memory_space<hbm>>, %arg6: memref<256xi32, #tpu.memory_space<vmem>>, %arg7: memref<256x256xf32, #tpu.memory_space<vmem>>, %arg8: memref<8192xi32, #tpu.memory_space<vmem>>, %arg9: memref<!tpu.dma_semaphore, #tpu.memory_space<semaphore_mem>>) attributes {dimension_semantics = [#tpu.dimension_semantics<core_parallel>, #tpu.dimension_semantics<subcore_parallel>], iteration_bounds = array<i64: 2, 16>, scalar_prefetch = 0 : i64, scratch_operands = 4 : i64, tpu.core_type = #tpu.core_type<sc_vector_subcore>, window_params = [{transform_indices = #map}, {transform_indices = #map1}, {transform_indices = #map}, {transform_indices = #map}]} {
    %mul3A = arith.constant 2 : i32
    %mul3A_0 = arith.muli %arg1, %mul3A : i32
    %add3A = arith.addi %mul3A_0, %arg0 : i32
    %mul3A_1 = arith.constant 256 : i32
    %mul3A_2 = arith.muli %add3A, %mul3A_1 : i32
    "tpu.region"() ({
      %run_scoped3A = tpu.sem_alloc : memref<!tpu.dma_semaphore, #tpu.memory_space<semaphore_mem>>
      %dma_start3A_21 = tpu.memref_slice %arg3[%mul3A_2] : memref<8192xi32, #tpu.memory_space<hbm>> -> memref<256xi32, #tpu.memory_space<hbm>>
      %dma_start3A_22 = tpu.memref_slice %arg3[%mul3A_2] : memref<8192xi32, #tpu.memory_space<hbm>> -> memref<256xi32, #tpu.memory_space<hbm>>
      tpu.enqueue_dma source(%dma_start3A_22 : memref<256xi32, #tpu.memory_space<hbm>>) target(%arg6 : memref<256xi32, #tpu.memory_space<vmem>>) target_semaphore(%run_scoped3A : memref<!tpu.dma_semaphore, #tpu.memory_space<semaphore_mem>>)
      %dma_wait3A_23 = tpu.memref_slice %arg3[%mul3A_2] : memref<8192xi32, #tpu.memory_space<hbm>> -> memref<256xi32, #tpu.memory_space<hbm>>
      %dma_wait3A_24 = tpu.memref_slice %arg3[%mul3A_2] : memref<8192xi32, #tpu.memory_space<hbm>> -> memref<256xi32, #tpu.memory_space<hbm>>
      tpu.wait_dma2 semaphore(%run_scoped3A : memref<!tpu.dma_semaphore, #tpu.memory_space<semaphore_mem>>) src(%dma_wait3A_24 : memref<256xi32, #tpu.memory_space<hbm>>) dst(%arg6 : memref<256xi32, #tpu.memory_space<vmem>>)
      tpu.yield
    }) : () -> ()
    %dma_start3A = arith.constant 0 : i32
    %dma_start3A_3 = arith.constant 0 : i32
    %dma_start3A_4 = tpu.memref_slice %arg2[%dma_start3A, %dma_start3A_3] : memref<8192x256xf32, #tpu.memory_space<hbm>> -> memref<8192x256xf32, #tpu.memory_space<hbm>>
    tpu.enqueue_indirect_dma source(%dma_start3A_4 : memref<8192x256xf32, #tpu.memory_space<hbm>>) target(%arg7 : memref<256x256xf32, #tpu.memory_space<vmem>>) offsets(%arg6 : memref<256xi32, #tpu.memory_space<vmem>>) semaphore(%arg9 : memref<!tpu.dma_semaphore, #tpu.memory_space<semaphore_mem>>)
    %dma_wait3A = arith.constant 0 : i32
    %dma_wait3A_5 = arith.constant 0 : i32
    %dma_wait3A_6 = tpu.memref_slice %arg2[%dma_wait3A, %dma_wait3A_5] : memref<8192x256xf32, #tpu.memory_space<hbm>> -> memref<8192x256xf32, #tpu.memory_space<hbm>>
    tpu.wait_indirect_dma semaphore(%arg9 : memref<!tpu.dma_semaphore, #tpu.memory_space<semaphore_mem>>) src(%dma_wait3A_6 : memref<8192x256xf32, #tpu.memory_space<hbm>>) dst(%arg7 : memref<256x256xf32, #tpu.memory_space<vmem>>)
    "tpu.region"() ({
      %run_scoped3A = tpu.sem_alloc : memref<!tpu.dma_semaphore, #tpu.memory_space<semaphore_mem>>
      %dma_start3A_21 = arith.constant 0 : i32
      %dma_start3A_22 = tpu.memref_slice %arg4[%mul3A_2, %dma_start3A_21] : memref<8192x256xf32, #tpu.memory_space<hbm>> -> memref<256x256xf32, #tpu.memory_space<hbm>>
      %dma_start3A_23 = arith.constant 0 : i32
      %dma_start3A_24 = tpu.memref_slice %arg4[%mul3A_2, %dma_start3A_23] : memref<8192x256xf32, #tpu.memory_space<hbm>> -> memref<256x256xf32, #tpu.memory_space<hbm>>
      tpu.enqueue_dma source(%arg7 : memref<256x256xf32, #tpu.memory_space<vmem>>) target(%dma_start3A_24 : memref<256x256xf32, #tpu.memory_space<hbm>>) target_semaphore(%run_scoped3A : memref<!tpu.dma_semaphore, #tpu.memory_space<semaphore_mem>>)
      %dma_wait3A_25 = arith.constant 0 : i32
      %dma_wait3A_26 = tpu.memref_slice %arg4[%mul3A_2, %dma_wait3A_25] : memref<8192x256xf32, #tpu.memory_space<hbm>> -> memref<256x256xf32, #tpu.memory_space<hbm>>
      %dma_wait3A_27 = arith.constant 0 : i32
      %dma_wait3A_28 = tpu.memref_slice %arg4[%mul3A_2, %dma_wait3A_27] : memref<8192x256xf32, #tpu.memory_space<hbm>> -> memref<256x256xf32, #tpu.memory_space<hbm>>
      tpu.wait_dma2 semaphore(%run_scoped3A : memref<!tpu.dma_semaphore, #tpu.memory_space<semaphore_mem>>) src(%arg7 : memref<256x256xf32, #tpu.memory_space<vmem>>) dst(%dma_wait3A_28 : memref<256x256xf32, #tpu.memory_space<hbm>>)
      tpu.yield
    }) : () -> ()
    %broadcast_in_dim3A = arith.constant 0 : i32
    %broadcast_in_dim3A_7 = vector.broadcast %broadcast_in_dim3A : i32 to vector<16xi32>
    %scan3A = arith.constant 0 : i32
    %scan3A_8 = arith.constant 0 : i32
    %scan3A_9 = arith.constant 512 : i32
    %scan3A_10 = arith.addi %scan3A_8, %scan3A_9 : i32
    %scan3A_11 = arith.constant 1 : i32
    scf.for %scan3A_21 = %scan3A_8 to %scan3A_10 step %scan3A_11  : i32 {
      %mul3A_22 = arith.constant 16 : i32
      %mul3A_23 = arith.muli %scan3A_21, %mul3A_22 : i32
      %swap3A = arith.index_cast %mul3A_23 : i32 to index
      %swap3A_24 = tpu.vector_load %arg8[%swap3A] {strides = array<i32>} : memref<8192xi32, #tpu.memory_space<vmem>>, vector<16xi32>,
      tpu.vector_store %arg8[%swap3A], %broadcast_in_dim3A_7 {strides = array<i32>} : memref<8192xi32, #tpu.memory_space<vmem>>, vector<16xi32>,
    }
    %scan3A_12 = arith.constant 512 : i32
    %broadcast_in_dim3A_13 = arith.constant 1 : i32
    %broadcast_in_dim3A_14 = vector.broadcast %broadcast_in_dim3A_13 : i32 to vector<16xi32>
    %scan3A_15 = arith.constant 0 : i32
    %scan3A_16 = arith.constant 0 : i32
    %scan3A_17 = arith.constant 16 : i32
    %scan3A_18 = arith.addi %scan3A_16, %scan3A_17 : i32
    %scan3A_19 = arith.constant 1 : i32
    scf.for %scan3A_21 = %scan3A_16 to %scan3A_18 step %scan3A_19  : i32 {
      %mul3A_22 = arith.constant 16 : i32
      %mul3A_23 = arith.muli %scan3A_21, %mul3A_22 : i32
      %get3A = arith.index_cast %mul3A_23 : i32 to index
      %get3A_24 = tpu.vector_load %arg6[%get3A] {strides = array<i32>} : memref<256xi32, #tpu.memory_space<vmem>>, vector<16xi32>,
      tpu.vector_store_idx %arg8[%get3A_24], %broadcast_in_dim3A_14 {add = true} : memref<8192xi32, #tpu.memory_space<vmem>>[vector<16xi32>], vector<16xi32>,
    }
    %scan3A_20 = arith.constant 16 : i32
    "tpu.region"() ({
      %run_scoped3A = tpu.sem_alloc : memref<!tpu.dma_semaphore, #tpu.memory_space<semaphore_mem>>
      %dma_start3A_21 = arith.constant 0 : i32
      %dma_start3A_22 = tpu.memref_slice %arg5[%add3A, %dma_start3A_21] : memref<32x8192xi32, #tpu.memory_space<hbm>> -> memref<1x8192xi32, #tpu.memory_space<hbm>>
      %dma_start3A_23 = tpu.memref_squeeze %dma_start3A_22 : memref<1x8192xi32, #tpu.memory_space<hbm>> -> memref<8192xi32, #tpu.memory_space<hbm>>
      %dma_start3A_24 = arith.constant 0 : i32
      %dma_start3A_25 = tpu.memref_slice %arg5[%add3A, %dma_start3A_24] : memref<32x8192xi32, #tpu.memory_space<hbm>> -> memref<1x8192xi32, #tpu.memory_space<hbm>>
      %dma_start3A_26 = tpu.memref_squeeze %dma_start3A_25 : memref<1x8192xi32, #tpu.memory_space<hbm>> -> memref<8192xi32, #tpu.memory_space<hbm>>
      tpu.enqueue_dma source(%arg8 : memref<8192xi32, #tpu.memory_space<vmem>>) target(%dma_start3A_26 : memref<8192xi32, #tpu.memory_space<hbm>>) target_semaphore(%run_scoped3A : memref<!tpu.dma_semaphore, #tpu.memory_space<semaphore_mem>>)
      %dma_wait3A_27 = arith.constant 0 : i32
      %dma_wait3A_28 = tpu.memref_slice %arg5[%add3A, %dma_wait3A_27] : memref<32x8192xi32, #tpu.memory_space<hbm>> -> memref<1x8192xi32, #tpu.memory_space<hbm>>
      %dma_wait3A_29 = tpu.memref_squeeze %dma_wait3A_28 : memref<1x8192xi32, #tpu.memory_space<hbm>> -> memref<8192xi32, #tpu.memory_space<hbm>>
      %dma_wait3A_30 = arith.constant 0 : i32
      %dma_wait3A_31 = tpu.memref_slice %arg5[%add3A, %dma_wait3A_30] : memref<32x8192xi32, #tpu.memory_space<hbm>> -> memref<1x8192xi32, #tpu.memory_space<hbm>>
      %dma_wait3A_32 = tpu.memref_squeeze %dma_wait3A_31 : memref<1x8192xi32, #tpu.memory_space<hbm>> -> memref<8192xi32, #tpu.memory_space<hbm>>
      tpu.wait_dma2 semaphore(%run_scoped3A : memref<!tpu.dma_semaphore, #tpu.memory_space<semaphore_mem>>) src(%arg8 : memref<8192xi32, #tpu.memory_space<vmem>>) dst(%dma_wait3A_32 : memref<8192xi32, #tpu.memory_space<hbm>>)
      tpu.yield
    }) : () -> ()
    return
  }
}

module attributes {stable_mosaic.version = 14 : i64} {
  func.func @_argmin_body(%arg0: i32, %arg1: i32, %arg2: memref<1x256x1024xf32, #tpu.memory_space<vmem>>, %arg3: memref<512x256xf32, #tpu.memory_space<vmem>>, %arg4: memref<1x1x1024xi32, #tpu.memory_space<vmem>>, %arg5: memref<1x1024xf32, #tpu.memory_space<vmem>>, %arg6: memref<1x1024xf32, #tpu.memory_space<vmem>>, %arg7: memref<1x1024xi32, #tpu.memory_space<vmem>>) attributes {dimension_semantics = [#tpu.dimension_semantics<arbitrary>, #tpu.dimension_semantics<arbitrary>], iteration_bounds = array<i64: 8, 16>, scalar_prefetch = 0 : i64, scratch_operands = 3 : i64, tpu.core_type = #tpu.core_type<tc>, window_params = [{transform_indices = @transform_0, window_bounds = array<i64: 1, 256, 1024>}, {transform_indices = @transform_1, window_bounds = array<i64: 512, 256>}, {transform_indices = @transform_2, window_bounds = array<i64: 1, 1, 1024>}]} {
    %get3A = arith.constant 0 : index
    %get3A_0 = arith.constant 0 : index
    %get3A_1 = arith.constant 0 : index
    %get3A_2 = vector.load %arg2[%get3A, %get3A_0, %get3A_1] : memref<1x256x1024xf32, #tpu.memory_space<vmem>>, vector<1x256x1024xf32>
    %get3A_3 = vector.shape_cast %get3A_2 : vector<1x256x1024xf32> to vector<256x1024xf32>
    %eq3A = arith.constant 0 : i32
    %eq3A_4 = arith.cmpi eq, %arg1, %eq3A : i32
    %convert_element_type3A = arith.extui %eq3A_4 : i1 to i32
    %cond3A = arith.constant 0 : i32
    %cond3A_5 = arith.cmpi ne, %convert_element_type3A, %cond3A : i32
    scf.if %cond3A_5 {
      %mul3A_54 = arith.mulf %get3A_3, %get3A_3 : vector<256x1024xf32>
      %slice3A = vector.extract_strided_slice %mul3A_54 {offsets = [0, 0], sizes = [128, 1024], strides = [1, 1]} : vector<256x1024xf32> to vector<128x1024xf32>
      %slice3A_55 = vector.extract_strided_slice %mul3A_54 {offsets = [128, 0], sizes = [128, 1024], strides = [1, 1]} : vector<256x1024xf32> to vector<128x1024xf32>
      %add3A_56 = arith.addf %slice3A, %slice3A_55 : vector<128x1024xf32>
      %slice3A_57 = vector.extract_strided_slice %add3A_56 {offsets = [0, 0], sizes = [64, 1024], strides = [1, 1]} : vector<128x1024xf32> to vector<64x1024xf32>
      %slice3A_58 = vector.extract_strided_slice %add3A_56 {offsets = [64, 0], sizes = [64, 1024], strides = [1, 1]} : vector<128x1024xf32> to vector<64x1024xf32>
      %add3A_59 = arith.addf %slice3A_57, %slice3A_58 : vector<64x1024xf32>
      %slice3A_60 = vector.extract_strided_slice %add3A_59 {offsets = [0, 0], sizes = [32, 1024], strides = [1, 1]} : vector<64x1024xf32> to vector<32x1024xf32>
      %slice3A_61 = vector.extract_strided_slice %add3A_59 {offsets = [32, 0], sizes = [32, 1024], strides = [1, 1]} : vector<64x1024xf32> to vector<32x1024xf32>
      %add3A_62 = arith.addf %slice3A_60, %slice3A_61 : vector<32x1024xf32>
      %slice3A_63 = vector.extract_strided_slice %add3A_62 {offsets = [0, 0], sizes = [16, 1024], strides = [1, 1]} : vector<32x1024xf32> to vector<16x1024xf32>
      %slice3A_64 = vector.extract_strided_slice %add3A_62 {offsets = [16, 0], sizes = [16, 1024], strides = [1, 1]} : vector<32x1024xf32> to vector<16x1024xf32>
      %add3A_65 = arith.addf %slice3A_63, %slice3A_64 : vector<16x1024xf32>
      %slice3A_66 = vector.extract_strided_slice %add3A_65 {offsets = [0, 0], sizes = [8, 1024], strides = [1, 1]} : vector<16x1024xf32> to vector<8x1024xf32>
      %slice3A_67 = vector.extract_strided_slice %add3A_65 {offsets = [8, 0], sizes = [8, 1024], strides = [1, 1]} : vector<16x1024xf32> to vector<8x1024xf32>
      %add3A_68 = arith.addf %slice3A_66, %slice3A_67 : vector<8x1024xf32>
      %slice3A_69 = vector.extract_strided_slice %add3A_68 {offsets = [0, 0], sizes = [4, 1024], strides = [1, 1]} : vector<8x1024xf32> to vector<4x1024xf32>
      %slice3A_70 = vector.extract_strided_slice %add3A_68 {offsets = [4, 0], sizes = [4, 1024], strides = [1, 1]} : vector<8x1024xf32> to vector<4x1024xf32>
      %add3A_71 = arith.addf %slice3A_69, %slice3A_70 : vector<4x1024xf32>
      %slice3A_72 = vector.extract_strided_slice %add3A_71 {offsets = [0, 0], sizes = [2, 1024], strides = [1, 1]} : vector<4x1024xf32> to vector<2x1024xf32>
      %slice3A_73 = vector.extract_strided_slice %add3A_71 {offsets = [2, 0], sizes = [2, 1024], strides = [1, 1]} : vector<4x1024xf32> to vector<2x1024xf32>
      %add3A_74 = arith.addf %slice3A_72, %slice3A_73 : vector<2x1024xf32>
      %slice3A_75 = vector.extract_strided_slice %add3A_74 {offsets = [0, 0], sizes = [1, 1024], strides = [1, 1]} : vector<2x1024xf32> to vector<1x1024xf32>
      %slice3A_76 = vector.extract_strided_slice %add3A_74 {offsets = [1, 0], sizes = [1, 1024], strides = [1, 1]} : vector<2x1024xf32> to vector<1x1024xf32>
      %add3A_77 = arith.addf %slice3A_75, %slice3A_76 : vector<1x1024xf32>
      %swap3A_78 = arith.constant 0 : index
      %swap3A_79 = arith.constant 0 : index
      %swap3A_80 = vector.load %arg5[%swap3A_78, %swap3A_79] : memref<1x1024xf32, #tpu.memory_space<vmem>>, vector<1x1024xf32>
      tpu.vector_store %arg5[%swap3A_78, %swap3A_79], %add3A_77 {strides = array<i32>} : memref<1x1024xf32, #tpu.memory_space<vmem>>, vector<1x1024xf32>,
      %broadcast_in_dim3A_81 = arith.constant 0x7F800000 : f32
      %broadcast_in_dim3A_82 = vector.broadcast %broadcast_in_dim3A_81 : f32 to vector<1x1024xf32>
      %swap3A_83 = arith.constant 0 : index
      %swap3A_84 = arith.constant 0 : index
      %swap3A_85 = vector.load %arg6[%swap3A_83, %swap3A_84] : memref<1x1024xf32, #tpu.memory_space<vmem>>, vector<1x1024xf32>
      tpu.vector_store %arg6[%swap3A_83, %swap3A_84], %broadcast_in_dim3A_82 {strides = array<i32>} : memref<1x1024xf32, #tpu.memory_space<vmem>>, vector<1x1024xf32>,
      %broadcast_in_dim3A_86 = arith.constant 0 : i32
      %broadcast_in_dim3A_87 = vector.broadcast %broadcast_in_dim3A_86 : i32 to vector<1x1024xi32>
      %swap3A_88 = arith.constant 0 : index
      %swap3A_89 = arith.constant 0 : index
      %swap3A_90 = vector.load %arg7[%swap3A_88, %swap3A_89] : memref<1x1024xi32, #tpu.memory_space<vmem>>, vector<1x1024xi32>
      tpu.vector_store %arg7[%swap3A_88, %swap3A_89], %broadcast_in_dim3A_87 {strides = array<i32>} : memref<1x1024xi32, #tpu.memory_space<vmem>>, vector<1x1024xi32>,
    } else {
    }
    %get3A_6 = arith.constant 0 : index
    %get3A_7 = arith.constant 0 : index
    %get3A_8 = vector.load %arg3[%get3A_6, %get3A_7] : memref<512x256xf32, #tpu.memory_space<vmem>>, vector<512x256xf32>
    %mul3A = arith.mulf %get3A_8, %get3A_8 : vector<512x256xf32>
    %reduce_sum3A = arith.constant dense<0.000000e+00> : vector<512xf32>
    %reduce_sum3A_9 = vector.multi_reduction <add>, %mul3A, %reduce_sum3A [1] : vector<512x256xf32> to vector<512xf32>
    %broadcast_in_dim3A = vector.shape_cast %reduce_sum3A_9 : vector<512xf32> to vector<512x1xf32>
    %convert_element_type3A_10 = arith.truncf %get3A_8 : vector<512x256xf32> to vector<512x256xbf16>
    %convert_element_type3A_11 = arith.truncf %get3A_3 : vector<256x1024xf32> to vector<256x1024xbf16>
    %dot_general3A = arith.constant dense<0.000000e+00> : vector<512x1024xf32>
    %dot_general3A_12 = tpu.matmul %convert_element_type3A_10, %convert_element_type3A_11, %dot_general3A {dimension_numbers = #tpu.dot_dimension_numbers<[1], [0], [0], [1], [0, 0, 1, 1], [], []>, transpose_lhs_hint = false} : vector<512x256xbf16>, vector<256x1024xbf16>, vector<512x1024xf32> -> vector<512x1024xf32>
    %get3A_13 = arith.constant 0 : index
    %get3A_14 = arith.constant 0 : index
    %get3A_15 = vector.load %arg5[%get3A_13, %get3A_14] : memref<1x1024xf32, #tpu.memory_space<vmem>>, vector<1x1024xf32>
    %add3A = vector.broadcast %get3A_15 : vector<1x1024xf32> to vector<512x1024xf32>
    %add3A_16 = vector.broadcast %broadcast_in_dim3A : vector<512x1xf32> to vector<512x1024xf32>
    %add3A_17 = arith.addf %add3A, %add3A_16 : vector<512x1024xf32>
    %mul3A_18 = arith.constant 2.000000e+00 : f32
    %mul3A_19 = vector.broadcast %mul3A_18 : f32 to vector<512x1024xf32>
    %mul3A_20 = arith.mulf %mul3A_19, %dot_general3A_12 : vector<512x1024xf32>
    %sub3A = arith.subf %add3A_17, %mul3A_20 : vector<512x1024xf32>
    %reduce_min3A = arith.constant dense<0x7F800000> : vector<1024xf32>
    %reduce_min3A_21 = vector.multi_reduction <minimumf>, %sub3A, %reduce_min3A [0] : vector<512x1024xf32> to vector<1024xf32>
    %broadcast_in_dim3A_22 = vector.shape_cast %reduce_min3A_21 : vector<1024xf32> to vector<1x1024xf32>
    %iota3A = tpu.iota {dimensions = array<i32: 0>} : vector<512x1024xi32>
    %mul3A_23 = arith.constant 512 : i32
    %mul3A_24 = arith.muli %arg1, %mul3A_23 : i32
    %add3A_25 = vector.broadcast %mul3A_24 : i32 to vector<512x1024xi32>
    %add3A_26 = arith.addi %iota3A, %add3A_25 : vector<512x1024xi32>
    %eq3A_27 = vector.broadcast %broadcast_in_dim3A_22 : vector<1x1024xf32> to vector<512x1024xf32>
    %eq3A_28 = arith.cmpf oeq, %sub3A, %eq3A_27 : vector<512x1024xf32>
    %jit3A = arith.constant 1073741824 : i32
    %broadcast_in_dim3A_29 = vector.broadcast %jit3A : i32 to vector<512x1024xi32>
    %select_n3A = arith.select %eq3A_28, %add3A_26, %broadcast_in_dim3A_29 : vector<512x1024xi1>, vector<512x1024xi32>
    %reduce_min3A_30 = arith.constant dense<2147483647> : vector<1024xi32>
    %reduce_min3A_31 = vector.multi_reduction <minsi>, %select_n3A, %reduce_min3A_30 [0] : vector<512x1024xi32> to vector<1024xi32>
    %broadcast_in_dim3A_32 = vector.shape_cast %reduce_min3A_31 : vector<1024xi32> to vector<1x1024xi32>
    %get3A_33 = arith.constant 0 : index
    %get3A_34 = arith.constant 0 : index
    %get3A_35 = vector.load %arg6[%get3A_33, %get3A_34] : memref<1x1024xf32, #tpu.memory_space<vmem>>, vector<1x1024xf32>
    %lt3A = arith.cmpf olt, %broadcast_in_dim3A_22, %get3A_35 : vector<1x1024xf32>
    %get3A_36 = arith.constant 0 : index
    %get3A_37 = arith.constant 0 : index
    %get3A_38 = vector.load %arg7[%get3A_36, %get3A_37] : memref<1x1024xi32, #tpu.memory_space<vmem>>, vector<1x1024xi32>
    %select_n3A_39 = arith.select %lt3A, %broadcast_in_dim3A_32, %get3A_38 : vector<1x1024xi1>, vector<1x1024xi32>
    %swap3A = arith.constant 0 : index
    %swap3A_40 = arith.constant 0 : index
    %swap3A_41 = vector.load %arg7[%swap3A, %swap3A_40] : memref<1x1024xi32, #tpu.memory_space<vmem>>, vector<1x1024xi32>
    tpu.vector_store %arg7[%swap3A, %swap3A_40], %select_n3A_39 {strides = array<i32>} : memref<1x1024xi32, #tpu.memory_space<vmem>>, vector<1x1024xi32>,
    %get3A_42 = arith.constant 0 : index
    %get3A_43 = arith.constant 0 : index
    %get3A_44 = vector.load %arg6[%get3A_42, %get3A_43] : memref<1x1024xf32, #tpu.memory_space<vmem>>, vector<1x1024xf32>
    %select_n3A_45 = arith.select %lt3A, %broadcast_in_dim3A_22, %get3A_44 : vector<1x1024xi1>, vector<1x1024xf32>
    %swap3A_46 = arith.constant 0 : index
    %swap3A_47 = arith.constant 0 : index
    %swap3A_48 = vector.load %arg6[%swap3A_46, %swap3A_47] : memref<1x1024xf32, #tpu.memory_space<vmem>>, vector<1x1024xf32>
    tpu.vector_store %arg6[%swap3A_46, %swap3A_47], %select_n3A_45 {strides = array<i32>} : memref<1x1024xf32, #tpu.memory_space<vmem>>, vector<1x1024xf32>,
    %eq3A_49 = arith.constant 15 : i32
    %eq3A_50 = arith.cmpi eq, %arg1, %eq3A_49 : i32
    %convert_element_type3A_51 = arith.extui %eq3A_50 : i1 to i32
    %cond3A_52 = arith.constant 0 : i32
    %cond3A_53 = arith.cmpi ne, %convert_element_type3A_51, %cond3A_52 : i32
    scf.if %cond3A_53 {
      %get3A_54 = arith.constant 0 : index
      %get3A_55 = arith.constant 0 : index
      %get3A_56 = vector.load %arg7[%get3A_54, %get3A_55] : memref<1x1024xi32, #tpu.memory_space<vmem>>, vector<1x1024xi32>
      %broadcast_in_dim3A_57 = vector.shape_cast %get3A_56 : vector<1x1024xi32> to vector<1x1x1024xi32>
      %swap3A_58 = arith.constant 0 : index
      %swap3A_59 = arith.constant 0 : index
      %swap3A_60 = arith.constant 0 : index
      %swap3A_61 = vector.load %arg4[%swap3A_58, %swap3A_59, %swap3A_60] : memref<1x1x1024xi32, #tpu.memory_space<vmem>>, vector<1x1x1024xi32>
      tpu.vector_store %arg4[%swap3A_58, %swap3A_59, %swap3A_60], %broadcast_in_dim3A_57 {strides = array<i32>} : memref<1x1x1024xi32, #tpu.memory_space<vmem>>, vector<1x1x1024xi32>,
    } else {
    }
    return
  }
  func.func @transform_0(%arg0: i32, %arg1: i32) -> (i32, i32, i32) {
    %c0_i32 = arith.constant 0 : i32
    %c0_i32_0 = arith.constant 0 : i32
    %c0_i32_1 = arith.constant 0 : i32
    return %arg0, %c0_i32, %c0_i32_0 : i32, i32, i32
  }
  func.func @transform_1(%arg0: i32, %arg1: i32) -> (i32, i32) {
    %c0_i32 = arith.constant 0 : i32
    %c0_i32_0 = arith.constant 0 : i32
    return %arg1, %c0_i32 : i32, i32
  }
  func.func @transform_2(%arg0: i32, %arg1: i32) -> (i32, i32, i32) {
    %c0_i32 = arith.constant 0 : i32
    %c0_i32_0 = arith.constant 0 : i32
    %c0_i32_1 = arith.constant 0 : i32
    return %arg0, %c0_i32, %c0_i32_0 : i32, i32, i32
  }
}

module attributes {stable_mosaic.version = 14 : i64} {
  func.func @_final_body(%arg0: i32, %arg1: memref<1x256x1024xf32, #tpu.memory_space<vmem>>, %arg2: memref<1x1024x256xf32, #tpu.memory_space<vmem>>, %arg3: memref<32x8192xi32, #tpu.memory_space<vmem>>, %arg4: memref<1x256x1024xf32, #tpu.memory_space<vmem>>, %arg5: memref<1x1xf32, #tpu.memory_space<vmem>>, %arg6: memref<1x1xf32, #tpu.memory_space<vmem>>, %arg7: memref<1x1xf32, #tpu.memory_space<smem>>) attributes {dimension_semantics = [#tpu.dimension_semantics<arbitrary>], iteration_bounds = array<i64: 8>, scalar_prefetch = 0 : i64, scratch_operands = 1 : i64, tpu.core_type = #tpu.core_type<tc>, window_params = [{transform_indices = @transform_0, window_bounds = array<i64: 1, 256, 1024>}, {transform_indices = @transform_1, window_bounds = array<i64: 1, 1024, 256>}, {pipeline_mode = #tpu.pipeline_mode<synchronous>, transform_indices = @transform_2, window_bounds = array<i64: 32, 8192>}, {transform_indices = @transform_3, window_bounds = array<i64: 1, 256, 1024>}, {pipeline_mode = #tpu.pipeline_mode<synchronous>, transform_indices = @transform_4, window_bounds = array<i64: 1, 1>}, {pipeline_mode = #tpu.pipeline_mode<synchronous>, transform_indices = @transform_5, window_bounds = array<i64: 1, 1>}]} {
    %get3A = arith.constant 0 : index
    %get3A_0 = arith.constant 0 : index
    %get3A_1 = arith.constant 0 : index
    %get3A_2 = vector.load %arg1[%get3A, %get3A_0, %get3A_1] : memref<1x256x1024xf32, #tpu.memory_space<vmem>>, vector<1x256x1024xf32>
    %get3A_3 = vector.shape_cast %get3A_2 : vector<1x256x1024xf32> to vector<256x1024xf32>
    %get3A_4 = arith.constant 0 : index
    %get3A_5 = arith.constant 0 : index
    %get3A_6 = arith.constant 0 : index
    %get3A_7 = vector.load %arg2[%get3A_4, %get3A_5, %get3A_6] : memref<1x1024x256xf32, #tpu.memory_space<vmem>>, vector<1x1024x256xf32>
    %get3A_8 = vector.shape_cast %get3A_7 : vector<1x1024x256xf32> to vector<1024x256xf32>
    %transpose3A = tpu.transpose %get3A_8, [1, 0] : vector<1024x256xf32> -> vector<256x1024xf32>
    %sub3A = arith.subf %transpose3A, %get3A_3 : vector<256x1024xf32>
    %add3A = arith.addf %get3A_3, %sub3A : vector<256x1024xf32>
    %swap3A = arith.constant 0 : index
    %swap3A_9 = arith.constant 0 : index
    %swap3A_10 = arith.constant 0 : index
    %swap3A_11 = vector.load %arg4[%swap3A, %swap3A_9, %swap3A_10] : memref<1x256x1024xf32, #tpu.memory_space<vmem>>, vector<1x256x1024xf32>
    %swap3A_12 = vector.shape_cast %swap3A_11 : vector<1x256x1024xf32> to vector<256x1024xf32>
    %swap3A_13 = vector.shape_cast %add3A : vector<256x1024xf32> to vector<1x256x1024xf32>
    tpu.vector_store %arg4[%swap3A, %swap3A_9, %swap3A_10], %swap3A_13 {strides = array<i32>} : memref<1x256x1024xf32, #tpu.memory_space<vmem>>, vector<1x256x1024xf32>,
    %sub3A_14 = arith.subf %get3A_3, %transpose3A : vector<256x1024xf32>
    %mul3A = arith.mulf %sub3A_14, %sub3A_14 : vector<256x1024xf32>
    %reduce_sum3A = vector.shape_cast %mul3A : vector<256x1024xf32> to vector<1x256x1024xf32>
    %reduce_sum3A_15 = arith.constant dense<0.000000e+00> : vector<1xf32>
    %reduce_sum3A_16 = vector.multi_reduction <add>, %reduce_sum3A, %reduce_sum3A_15 [1, 2] : vector<1x256x1024xf32> to vector<1xf32>
    %reduce_sum3A_17 = vector.shape_cast %reduce_sum3A_16 : vector<1xf32> to vector<1x1x1xf32>
    %reduce_sum3A_18 = vector.extract %reduce_sum3A_17[0, 0, 0] : f32 from vector<1x1x1xf32>
    %eq3A = arith.constant 0 : i32
    %eq3A_19 = arith.cmpi eq, %arg0, %eq3A : i32
    %convert_element_type3A = arith.extui %eq3A_19 : i1 to i32
    %cond3A = arith.constant 0 : i32
    %cond3A_20 = arith.cmpi ne, %convert_element_type3A, %cond3A : i32
    scf.if %cond3A_20 {
      %swap3A_30 = arith.constant 0 : index
      %swap3A_31 = arith.constant 0 : index
      %swap3A_32 = memref.load %arg7[%swap3A_30, %swap3A_31] : memref<1x1xf32, #tpu.memory_space<smem>>
      memref.store %reduce_sum3A_18, %arg7[%swap3A_30, %swap3A_31] : memref<1x1xf32, #tpu.memory_space<smem>>
    } else {
    }
    %gt3A = arith.constant 0 : i32
    %gt3A_21 = arith.cmpi sgt, %arg0, %gt3A : i32
    %convert_element_type3A_22 = arith.extui %gt3A_21 : i1 to i32
    %cond3A_23 = arith.constant 0 : i32
    %cond3A_24 = arith.cmpi ne, %convert_element_type3A_22, %cond3A_23 : i32
    scf.if %cond3A_24 {
      %get3A_30 = arith.constant 0 : index
      %get3A_31 = arith.constant 0 : index
      %get3A_32 = memref.load %arg7[%get3A_30, %get3A_31] : memref<1x1xf32, #tpu.memory_space<smem>>
      %add3A_33 = arith.addf %get3A_32, %reduce_sum3A_18 : f32
      %swap3A_34 = arith.constant 0 : index
      %swap3A_35 = arith.constant 0 : index
      %swap3A_36 = memref.load %arg7[%swap3A_34, %swap3A_35] : memref<1x1xf32, #tpu.memory_space<smem>>
      memref.store %add3A_33, %arg7[%swap3A_34, %swap3A_35] : memref<1x1xf32, #tpu.memory_space<smem>>
    } else {
    }
    %eq3A_25 = arith.constant 7 : i32
    %eq3A_26 = arith.cmpi eq, %arg0, %eq3A_25 : i32
    %convert_element_type3A_27 = arith.extui %eq3A_26 : i1 to i32
    %cond3A_28 = arith.constant 0 : i32
    %cond3A_29 = arith.cmpi ne, %convert_element_type3A_27, %cond3A_28 : i32
    scf.if %cond3A_29 {
      %get3A_30 = arith.constant 0 : index
      %get3A_31 = arith.constant 0 : index
      %get3A_32 = memref.load %arg7[%get3A_30, %get3A_31] : memref<1x1xf32, #tpu.memory_space<smem>>
      %div3A = arith.constant 0x4A000000 : f32
      %div3A_33 = arith.divf %get3A_32, %div3A : f32
      %broadcast_in_dim3A = vector.broadcast %div3A_33 : f32 to vector<1x1xf32>
      %swap3A_34 = arith.constant 0 : index
      %swap3A_35 = arith.constant 0 : index
      %swap3A_36 = vector.load %arg5[%swap3A_34, %swap3A_35] : memref<1x1xf32, #tpu.memory_space<vmem>>, vector<1x1xf32>
      tpu.vector_store %arg5[%swap3A_34, %swap3A_35], %broadcast_in_dim3A {strides = array<i32>} : memref<1x1xf32, #tpu.memory_space<vmem>>, vector<1x1xf32>,
      %get3A_37 = arith.constant 0 : index
      %get3A_38 = arith.constant 0 : index
      %get3A_39 = vector.load %arg3[%get3A_37, %get3A_38] : memref<32x8192xi32, #tpu.memory_space<vmem>>, vector<32x8192xi32>
      %reduce_sum3A_40 = arith.constant dense<0> : vector<8192xi32>
      %reduce_sum3A_41 = vector.multi_reduction <add>, %get3A_39, %reduce_sum3A_40 [0] : vector<32x8192xi32> to vector<8192xi32>
      %convert_element_type3A_42 = arith.sitofp %reduce_sum3A_41 : vector<8192xi32> to vector<8192xf32>
      %mul3A_43 = arith.constant 1.22070313E-4 : f32
      %mul3A_44 = vector.broadcast %mul3A_43 : f32 to vector<8192xf32>
      %mul3A_45 = arith.mulf %convert_element_type3A_42, %mul3A_44 : vector<8192xf32>
      %max3A = arith.constant 1.000000e-10 : f32
      %max3A_46 = vector.broadcast %max3A : f32 to vector<8192xf32>
      %max3A_47 = arith.maximumf %mul3A_45, %max3A_46 : vector<8192xf32>
      %log3A = math.log %max3A_47 : vector<8192xf32>
      %mul3A_48 = arith.mulf %mul3A_45, %log3A : vector<8192xf32>
      %reduce_sum3A_49 = vector.shape_cast %mul3A_48 : vector<8192xf32> to vector<1x8192xf32>
      %reduce_sum3A_50 = arith.constant dense<0.000000e+00> : vector<1xf32>
      %reduce_sum3A_51 = vector.multi_reduction <add>, %reduce_sum3A_49, %reduce_sum3A_50 [1] : vector<1x8192xf32> to vector<1xf32>
      %reduce_sum3A_52 = vector.shape_cast %reduce_sum3A_51 : vector<1xf32> to vector<1x1xf32>
      %reduce_sum3A_53 = vector.extract %reduce_sum3A_52[0, 0] : f32 from vector<1x1xf32>
      %neg3A = arith.constant 0.000000e+00 : f32
      %neg3A_54 = arith.subf %neg3A, %reduce_sum3A_53 : f32
      %exp3A = math.exp %neg3A_54 : f32
      %broadcast_in_dim3A_55 = vector.broadcast %exp3A : f32 to vector<1x1xf32>
      %swap3A_56 = arith.constant 0 : index
      %swap3A_57 = arith.constant 0 : index
      %swap3A_58 = vector.load %arg6[%swap3A_56, %swap3A_57] : memref<1x1xf32, #tpu.memory_space<vmem>>, vector<1x1xf32>
      tpu.vector_store %arg6[%swap3A_56, %swap3A_57], %broadcast_in_dim3A_55 {strides = array<i32>} : memref<1x1xf32, #tpu.memory_space<vmem>>, vector<1x1xf32>,
    } else {
    }
    return
  }
  func.func @transform_0(%arg0: i32) -> (i32, i32, i32) {
    %c0_i32 = arith.constant 0 : i32
    %c0_i32_0 = arith.constant 0 : i32
    %c0_i32_1 = arith.constant 0 : i32
    return %arg0, %c0_i32, %c0_i32_0 : i32, i32, i32
  }
  func.func @transform_1(%arg0: i32) -> (i32, i32, i32) {
    %c0_i32 = arith.constant 0 : i32
    %c0_i32_0 = arith.constant 0 : i32
    %c0_i32_1 = arith.constant 0 : i32
    return %arg0, %c0_i32, %c0_i32_0 : i32, i32, i32
  }
  func.func @transform_2(%arg0: i32) -> (i32, i32) {
    %c0_i32 = arith.constant 0 : i32
    %c0_i32_0 = arith.constant 0 : i32
    %c0_i32_1 = arith.constant 0 : i32
    return %c0_i32, %c0_i32_0 : i32, i32
  }
  func.func @transform_3(%arg0: i32) -> (i32, i32, i32) {
    %c0_i32 = arith.constant 0 : i32
    %c0_i32_0 = arith.constant 0 : i32
    %c0_i32_1 = arith.constant 0 : i32
    return %arg0, %c0_i32, %c0_i32_0 : i32, i32, i32
  }
  func.func @transform_4(%arg0: i32) -> (i32, i32) {
    %c0_i32 = arith.constant 0 : i32
    %c0_i32_0 = arith.constant 0 : i32
    %c0_i32_1 = arith.constant 0 : i32
    return %c0_i32, %c0_i32_0 : i32, i32
  }
  func.func @transform_5(%arg0: i32) -> (i32, i32) {
    %c0_i32 = arith.constant 0 : i32
    %c0_i32_0 = arith.constant 0 : i32
    %c0_i32_1 = arith.constant 0 : i32
    return %c0_i32, %c0_i32_0 : i32, i32
  }
}

</mosaic_0001>

<sc_bundles>
// kernel: kernel.5.cloned.1.call-start
scs
__scs_entry_jumppad:
0x0: {  	(pc) =	sbr.rel $0x88, $3  }
0x1: {  	(tag) =	ssettag $0x0;
	lr =	simm.s32 $0x1  }
0x2: {  	[smem:$0x3F9F] =	sst lr;
	_ =	strace $0xD0000000  }
0x3: {  	_ = 	snop  }
0x4: {  	_ = 	snop  }
0x5: {  	_ = 	snop  }
0x6: {  	_ = 	snop  }
0x7: {  	_ = 	snop  }
__scs_overlays_trampoline_lowered:
0x8: {  	[smem:$0x3FAE] =	sst s0  }
0x9: {  	[smem:$0x3FAF] =	sst s1  }
0xa: {  	[smem:$0x3FB0] =	sst s2  }
0xb: {  	[smem:$0x3FB1] =	sst s3  }
0xc: {  	[smem:$0x3FB2] =	sst s4  }
0xd: {  	[smem:$0x3FB3] =	sst s5  }
0xe: {  	[smem:$0x3FB4] =	sst s6  }
0xf: {  	[smem:$0x3FB5] =	sst s7  }
0x10: {  	[smem:$0x3FB6] =	sst s8  }
0x11: {  	[smem:$0x3FB7] =	sst s9;
	s0 =	simm.s32 @!p0 $0x0  }
0x12: {  	s1 =	sld [smem:$0x3F9D];
	s0 =	simm.s32 @p0 $0x1  }
0x13: {  	[smem:$0x3FB8] =	sst s0;
	s0 =	simm.s32 @!p1 $0x0  }
0x14: {  	s2 =	sld [smem:$0x3F9C];
	s0 =	simm.s32 @p1 $0x1  }
0x15: {  	[smem:$0x3FB9] =	sst s0;
	s0 =	simm.s32 @!p2 $0x0  }
0x16: {  	s3 =	sld [smem:$0x3FDB];
	s0 =	simm.s32 @p2 $0x1  }
0x17: {  	s4 =	simm.s32 $0x1BF5;
	[smem:$0x3FBB] =	sst s0  }
0x18: {  	s0 =	sld [smem:$0x3F9E];
	_ =	swait.ge [sflag:s4], $0x0  }
0x19: {  	s7 =	sld [smem:$0x3F9F]  }
0x1a: {  	s8 =	sadd.s32 $0xFFFFE003, lr  }
0x1b: {  	s9 =	sadd.s32 $0xFFFFFEF7, lr;
	s5 =	simm.s32 $0xFFFFFFFF;
	p2 =	slt.u32 s8, $0xFFFFF086  }
0x1c: {  	p1 =	slt.u32 s9, $0xF7A;
	s5 =	simm.s32 @!p2 $0x0  }
0x1d: {  	s5 =	simm.s32 @p1 $0x1;
	p0 =	seq.s32 s7, s2  }
0x1e: {  	s7 =	smul.u32 @!p0 $0xF7A, s2;
	p2 =	seq.s32 @!p0 s5, $0x0  }
0x1f: {  	s9 =	smul.u32 $0xF7A, s1;
	s8 =	simm.s32 @!p0 $0x1BF5;
	p2 =	por !p2, p0  }
0x20: {  	[sflag:s8] =	ssyncset.s32 @!p0 $0xFFFFF086;
	s6 =	sadd.s32 @!p0 s3, s7;
	s7 =	simm.s32 @!p0 $0x108  }
0x21: {  	s3 =	sadd.s32 s3, s9;
	s6 =	sadd.s32 @!p0 $0x88, s6;
	s7 =	simm.s32 @p2 $0x1082  }
0x22: {  	[simem:s7], [sflag:s8] =	dma.local @!p0 [hbm:s6], $0xF7A  }
0x23: {  	s9 =	sor.u32 $0xD0000000, s2;
	s6 =	simm.s32 $0x108;
	_ =	swait.ge @!p0 [sflag:s8], $0x0  }
0x24: {  	s3 =	sadd.s32 $0x88, s3;
	s6 =	simm.s32 @!p1 $0x1082;
	[sflag:s4] =	ssyncset.s32 $0xFFFFF086  }
0x25: {  	[simem:s6], [sflag:s4] =	dma.local [hbm:s3], $0xF7A  }
0x26: {  	[smem:$0x3F9F] =	sst s1;
	(tag) =	ssettag s2;
	_ =	strace s9  }
0x27: {  	s1 =	sld [smem:$0x3FAF]  }
0x28: {  	s2 =	sld [smem:$0x3FB0]  }
0x29: {  	s4 =	sld [smem:$0x3FB2]  }
0x2a: {  	p0 =	seq.s32 s5, $0x0;
	s5 =	sld [smem:$0x3FB3]  }
0x2b: {  	s6 =	sld [smem:$0x3FB4]  }
0x2c: {  	s7 =	sld [smem:$0x3FB5]  }
0x2d: {  	s3 =	simm.s32 $0x108;
	s8 =	sld [smem:$0x3FB6]  }
0x2e: {  	s3 =	simm.s32 @!p0 $0x1082;
	s9 =	sld [smem:$0x3FB7]  }
0x2f: {  	lr =	sadd.s32 s0, s3;
	s0 =	sld [smem:$0x3FAE]  }
0x30: {  	s3 =	sld [smem:$0x3FB1]  }
0x31: {  	[smem:$0x3FBA] =	sst s10  }
0x32: {  	s10 =	sld [smem:$0x3FB8];
	_ =	sdelay $0x3  }
0x33: {  	p0 =	seq.s32 s10, $0x1;
	s10 =	sld [smem:$0x3FBA];
	_ =	sdelay $0x3  }
0x34: {  	[smem:$0x3FBA] =	sst s10  }
0x35: {  	s10 =	sld [smem:$0x3FB9];
	_ =	sdelay $0x3  }
0x36: {  	p1 =	seq.s32 s10, $0x1;
	s10 =	sld [smem:$0x3FBA];
	_ =	sdelay $0x3  }
0x37: {  	[smem:$0x3FBA] =	sst s10  }
0x38: {  	s10 =	sld [smem:$0x3FBB]  }
0x39: {  	_ = 	snop;
	(pc) =	sbr.ind lr, $3  }
0x3a: {  	_ = 	snop  }
0x3b: {  	_ = 	snop  }
0x3c: {  	p2 =	seq.s32 s10, $0x1;
	s10 =	sld [smem:$0x3FBA]  }
0x3d: {  	_ =	shalt  }
0x3e: {  	_ =	shalt  }
0x3f: {  	_ =	shalt  }
0x40: {  	_ =	shalt  }
0x41: {  	_ =	shalt  }
0x42: {  	_ =	shalt  }
0x43: {  	_ =	shalt  }
0x44: {  	_ =	shalt  }
0x45: {  	_ =	shalt  }
0x46: {  	_ =	shalt  }
0x47: {  	_ =	shalt  }
0x48: {  	_ =	shalt  }
0x49: {  	_ =	shalt  }
0x4a: {  	_ =	shalt  }
0x4b: {  	_ =	shalt  }
0x4c: {  	_ =	shalt  }
0x4d: {  	_ =	shalt  }
0x4e: {  	_ =	shalt  }
0x4f: {  	_ =	shalt  }
0x50: {  	_ =	shalt  }
0x51: {  	_ =	shalt  }
0x52: {  	_ =	shalt  }
0x53: {  	_ =	shalt  }
0x54: {  	_ =	shalt  }
0x55: {  	_ =	shalt  }
0x56: {  	_ =	shalt  }
0x57: {  	_ =	shalt  }
0x58: {  	_ =	shalt  }
0x59: {  	_ =	shalt  }
0x5a: {  	_ =	shalt  }
0x5b: {  	_ =	shalt  }
0x5c: {  	_ =	shalt  }
0x5d: {  	_ =	shalt  }
0x5e: {  	_ =	shalt  }
0x5f: {  	_ =	shalt  }
0x60: {  	_ =	shalt  }
0x61: {  	_ =	shalt  }
0x62: {  	_ =	shalt  }
0x63: {  	_ =	shalt  }
0x64: {  	_ =	shalt  }
0x65: {  	_ =	shalt  }
0x66: {  	_ =	shalt  }
0x67: {  	_ =	shalt  }
0x68: {  	_ =	shalt  }
0x69: {  	_ =	shalt  }
0x6a: {  	_ =	shalt  }
0x6b: {  	_ =	shalt  }
0x6c: {  	_ =	shalt  }
0x6d: {  	_ =	shalt  }
0x6e: {  	_ =	shalt  }
0x6f: {  	_ =	shalt  }
0x70: {  	_ =	shalt  }
0x71: {  	_ =	shalt  }
0x72: {  	_ =	shalt  }
0x73: {  	_ =	shalt  }
0x74: {  	_ =	shalt  }
0x75: {  	_ =	shalt  }
0x76: {  	_ =	shalt  }
0x77: {  	_ =	shalt  }
0x78: {  	_ =	shalt  }
0x79: {  	_ =	shalt  }
0x7a: {  	_ =	shalt  }
0x7b: {  	_ =	shalt  }
0x7c: {  	_ =	shalt  }
0x7d: {  	_ =	shalt  }
0x7e: {  	_ =	shalt  }
0x7f: {  	_ =	shalt  }
0x80: {  	_ =	shalt  }
0x81: {  	_ =	shalt  }
0x82: {  	_ =	shalt  }
0x83: {  	_ =	shalt  }
0x84: {  	_ =	shalt  }
0x85: {  	_ =	shalt  }
0x86: {  	_ =	shalt  }
0x87: {  	_ =	shalt  }
.Lfunc_end0:
.L_simem_size_0:
called_computation_lowered:
.L_overlay_start_0:
0x88: {  	s2 =	sld [smem:$0x3FD9]  }
0x89: {  	s3 =	sld [smem:$0x3FFE];
	_ =	sdelay $0x1  }
0x8a: {  	s1 =	srdreg.scid  }
0x8b: {  	s0 =	sand.u32 $0x1, s1  }
0x8c: {  	s14 =	sshll.u32 s0, $0xA;
	s2 =	sadd.s32 s3, s2  }
0x8d: {  	s2 =	sadd.s32 s2, s14  }
0x8e: {  	[smem:$0x3FC6] =	sst s2  }
0x8f: {  	_ = 	snop  }
0x90: {  	s2 =	sld [smem:$0x3FD0];
	_ =	sdelay $0x2  }
0x91: {  	s4 =	simm.s32 $0xA;
	s5 =	simm.s32 $0x10;
	s15 =	sld [smem:$0x3FC8]  }
0x92: {  	[smem:s5], [sflag:s4] =	dma.local [hbm:s2], $0x1  }
0x93: {  	_ =	swait.eq [sflag:s4], $0x1  }
0x94: {  	[sflag:s4] =	ssyncset.done $0x0  }
0x95: {  	s16 =	sld [smem:$0x10];
	[sflag:s4] =	ssyncadd.s32 $0xFFFFFFFF  }
0x96: {  	s17 =	sld [smem:$0x11];
	(tm) =	ssettm $0x1  }
0x97: {  	s18 =	sld [smem:$0x3FFB];
	_ =	sdelay $0x3  }
0x98: {  	_ =	strace s18  }
0x99: {  	s5 =	sld [smem:$0x3FFC];
	_ =	sdelay $0x3  }
0x9a: {  	_ =	strace s5  }
0x9b: {  	s5 =	sld [smem:$0x3FFD];
	_ =	sdelay $0x3  }
0x9c: {  	_ =	strace s5  }
0x9d: {  	_ =	strace $0x8FFFFFFF  }
0x9e: {  	s19 =	sld [smem:$0x3FDB];
	_ =	sdelay $0x1  }
0x9f: {  	s6 =	simm.s32 $_scs_section_size  }
0xa0: {  	s7 =	simm.s32 $_size__tile_overlayer_lowered;
	s8 =	simm.s32 $_tile_overlayer_lowered  }
0xa1: {  	s22 =	simm.s32 $0x1BFF;
	s21 =	sshll.u32 s8, $0x1;
	s5 =	sadd.s32 s6, s19  }
0xa2: {  	s9 =	simm.s32 $0x0;
	s20 =	sshll.u32 s7, $0x1;
	s7 =	sadd.s32 s21, s5  }
0xa3: {  	[timem:s9], [sflag:s22] =	dma.local [hbm:s7], s20  }
0xa4: {  	_ =	swait.ge [sflag:s22], s20  }
0xa5: {  	s6 =	ssub.s32 $0x0, s20;
	[sflag:s22] =	ssyncset.done $0x0  }
0xa6: {  	[sflag:s22] =	ssyncadd.s32 s6;
	_ =	sdelay $0x1  }
0xa7: {  	s23 =	simm.s32 $0x1B8B  }
0xa8: {  	_ =	swait.ge [sflag:s23], $0x1  }
0xa9: {  	[sflag:s23] =	ssyncset.done $0x0  }
0xaa: {  	s25 =	simm.s32 $0x1B8E;
	s24 =	sld [smem:$0x3FFE];
	[sflag:s23] =	ssyncadd.s32 $0xFFFFFFFF  }
0xab: {  	s26 =	simm.s32 $execute0_lowered;
	[smem:$0x3FD2] =	sst s25  }
0xac: {  	s7 =	sshll.u32 s26, $0x1;
	_ =	strace $0x80000046;
	[dreg:$0x1] =	wrdreg $0xFFFFFFFF  }
0xad: {  	s28 =	simm.s32 $_size_execute0_lowered;
	s5 =	sadd.s32 s5, s7;
	[dreg:$0x0] =	wrdreg $0x0  }
0xae: {  	s7 =	sshll.u32 s28, $0x1;
	[dreg:$0x2] =	wrdreg s5  }
0xaf: {  	[dreg:$0x3] =	wrdreg s7  }
0xb0: {  	[dreg:$0x4] =	wrdreg $0xC0  }
0xb1: {  	_ =	task [dreg:s9], $0x5FFFF  }
0xb2: {  	[dreg:$0x1] =	wrdreg $0xFFFFFFFF  }
0xb3: {  	[dreg:$0x0] =	wrdreg $0x60  }
0xb4: {  	[dreg:$0x2] =	wrdreg s15  }
0xb5: {  	[dreg:$0x3] =	wrdreg s17  }
0xb6: {  	[dreg:$0x4] =	wrdreg s16  }
0xb7: {  	[dreg:$0x5] =	wrdreg s24  }
0xb8: {  	[dreg:$0x6] =	wrdreg $0x9  }
0xb9: {  	_ =	task.clear_ibuf [dreg:s9], $0x7FFFF;
	_ =	strace $0x90000046  }
0xba: {  	s29 =	simm.s32 $0x9;
	_ =	strace $0x80000048  }
0xbb: {  	_ =	swait.ge [sflag:s29], $0x1  }
0xbc: {  	[sflag:s29] =	ssyncadd.s32 $0xFFFFFFFF  }
0xbd: {  	_ =	strace $0x90000048  }
0xbe: {  	_ =	sfence  }
0xbf: {  	s30 =	sld [smem:$0x0];
	_ =	sdelay $0x2  }
0xc0: {  	s31 =	sshll.u32 s1, $0xD;
	s1 =	sshrl.u32 s1, $0x2  }
0xc1: {  	s3 =	sand.u32 $0x4000, s31;
	s1 =	sadd.s32 s1, s30  }
0xc2: {  	s0 =	sor.u32 s3, s0;
	s1 =	sshll.u32 s1, $0x11  }
0xc3: {  	s0 =	sor.u32 s1, s0  }
0xc4: {  	s0 =	sadd.s32 $0x8F2B, s0  }
0xc5: {  	[sflag:s0] =	ssyncadd.remote.s32 $0x1  }
0xc6: {  	_ =	sfence.sel $0xFFFF  }
0xc7: {  	[dreg:$0x0] =	wrdreg $0xFFFFFFFF;
	(pc) =	sbr.abs _section_cstart, $3  }
0xc8: {  	[dreg:$0x1] =	wrdreg $0xFFFFFFFF  }
0xc9: {  	_ =	task.clear_ibuf [dreg:s9], $0x2FFFF;
	_ =	strace $0x9FFFFFFF  }
0xca: {  	(tm) =	ssettm $0x7FFFFFFF  }
0xcb: {  	_ =	shalt  }
tec
execute0_lowered:
.L_overlay_start_1:
0x0: {  	(tag) =	ssettag $0x1  }
0x1: {  	s1 =	rddreg [dreg:$0x0]  }
0x2: {  	s2 =	rddreg [dreg:$0x1]  }
0x3: {  	s0 =	srdreg.scid;
	s5 =	rddreg [dreg:$0x2]  }
0x4: {  	s3 =	stileid.u32;
	s6 =	rddreg [dreg:$0x3];
	s25 =	simm.s32 $0x8100  }
0x5: {  	s26 =	simm.s32 $0x8900;
	s28 =	simm.s32 $0x9100;
	s29 =	simm.s32 $0x9900  }
0x6: {  	s30 =	simm.s32 $0xA100;
	s31 =	simm.s32 $0xA900;
	s10 =	simm.s32 $0xC100  }
0x7: {  	s11 =	simm.s32 $0xC900;
	s12 =	simm.s32 $0xD100;
	s13 =	simm.s32 $0xD900  }
0x8: {  	s14 =	simm.s32 $0xE100;
	s15 =	simm.s32 $0xE900;
	s16 =	simm.s32 $0xF100  }
0x9: {  	s17 =	simm.s32 $0xF900;
	s18 =	simm.s32 $0x1;
	s19 =	simm.s32 $0x10100  }
0xa: {  	s20 =	simm.s32 $0x80;
	s0 =	sand.u32 $0x1, s0;
	s3 =	sshll.u32 s3, $0x1  }
0xb: {  	s21 =	simm.s32 $0x400;
	s22 =	simm.s32 $0x0;
	s4 =	sor.u32 s0, s3  }
0xc: {  	s3 =	simm.s32 $0x0;
	s0 =	ssub.s32 $0x2, s0;
	s7 =	sshll.u32 s4, $0xD  }
0xd: {  	s8 =	sshll.u32 s4, $0x7;
	[smem:$0x7FF] =	sst s3;
	s9 =	sshrl.u32 s0, $0x1  }
0xe: {  	s4 =	sshll.u32 s4, $0x5;
	s8 =	sor.u32 s8, s7;
	_ =	strace $0x80000047  }
0xf: {  	s0 =	ssub.s32 s0, s9;
	s4 =	sadd.s32 s2, s4;
	s8 =	sand.u32 $0x30380, s8  }
0x10: {  	v2 =	vlaneseq.u32;
	vm0 =	vmmov $0xffff;
	s5 =	sadd.s32 s5, s7;
	s9 =	simm.s32 $0x100;
	s8 =	sshrl.u32 s8, $0x3  }
0x11: {  	v3 =	vimm.s32 $0x0;
	v4 =	vimm.s32 $0x1;
	v1 =	vshrl.u32 v2, $0x3;
	s2 =	simm.s32 $0xB100;
	s7 =	smax.u32 s0, $0x1;
	s6 =	sadd.s32 s8, s6  }
0x12: {  	v0 =	vand.u32 $0x7, v2;
	v2 =	vor.u32 $0x8, v2;
	v1 =	vmul.u32 $0x8, v1;
	s0 =	simm.s32 $0xB900;
	s8 =	simm.s32 $0x2;
	s6 =	sadd.s32 $0xE00, s6  }
.LBB2_1:
0x13: {  	[tilespmem:s3], [sflag:$0x2] =	stream.linear.gather [hbm4b:s4+s3], $0x100, $0x38;
	[tilespmem:$0x12100] =	vst v63  }
0x14: {  	_ =	swait.ge [sflag:s8], $0x100  }
0x15: {  	[sflag:s8] =	ssyncset.done $0x0  }
0x16: {  	[sflag:s8] =	ssyncadd.s32 $0xFFFFFF00  }
0x17: {  	v5 =	vld [tilespmem:$0x0];
	_ =	sdelay $0x4  }
0x18: {  	v6 =	vshll.u32 v5, $0x1  }
0x19: {  	v5 =	vand.u32 $0x7, v5;
	v6 =	vand.u32 $0xFFFFFFF0, v6  }
0x1a: {  	v5 =	vor.u32 v5, v6  }
0x1b: {  	v6 =	vperm.xlane v5, v0;
	_ =	sdelay $0x1  }
0x1c: {  	v5 =	vperm.xlane v5, v2;
	v6 =	vadd.s32 v1, v6;
	_ =	sdelay $0x1  }
0x1d: {  	v5 =	vadd.s32 v1, v5;
	_ =	sdelay $0x2  }
0x1e: {  	[tilespmem:s9], [sflag:$0x1] =	stream.indirect_vreg.gather [hbm4b:s1+s3], $0x80, v6, vm0, $0xb8;
	[tilespmem:$0x12100] =	vst v63  }
0x1f: {  	s23 =	simm.s32 $0x900  }
0x20: {  	[tilespmem:s23], [sflag:$0x1] =	stream.indirect_vreg.gather [hbm4b:s1+s3], $0x80, v5, vm0, $0xb8;
	[tilespmem:$0x12100] =	vst v63  }
0x21: {  	v5 =	vld [tilespmem:$0x10];
	_ =	sdelay $0x4  }
0x22: {  	v6 =	vshll.u32 v5, $0x1  }
0x23: {  	v5 =	vand.u32 $0x7, v5;
	v6 =	vand.u32 $0xFFFFFFF0, v6  }
0x24: {  	v5 =	vor.u32 v5, v6  }
0x25: {  	v6 =	vperm.xlane v5, v0;
	_ =	sdelay $0x1  }
0x26: {  	v5 =	vperm.xlane v5, v2;
	v6 =	vadd.s32 v1, v6;
	_ =	sdelay $0x1  }
0x27: {  	v5 =	vadd.s32 v1, v5;
	_ =	sdelay $0x1  }
0x28: {  	s24 =	simm.s32 $0x1100  }
0x29: {  	[tilespmem:s24], [sflag:$0x1] =	stream.indirect_vreg.gather [hbm4b:s1+s3], $0x80, v6, vm0, $0xb8;
	[tilespmem:$0x12100] =	vst v63  }
0x2a: {  	s24 =	simm.s32 $0x1900  }
0x2b: {  	[tilespmem:s24], [sflag:$0x1] =	stream.indirect_vreg.gather [hbm4b:s1+s3], $0x80, v5, vm0, $0xb8;
	[tilespmem:$0x12100] =	vst v63  }
0x2c: {  	v5 =	vld [tilespmem:$0x20];
	_ =	sdelay $0x4  }
0x2d: {  	v6 =	vshll.u32 v5, $0x1  }
0x2e: {  	v5 =	vand.u32 $0x7, v5;
	v6 =	vand.u32 $0xFFFFFFF0, v6  }
0x2f: {  	v5 =	vor.u32 v5, v6  }
0x30: {  	v6 =	vperm.xlane v5, v0;
	_ =	sdelay $0x1  }
0x31: {  	v5 =	vperm.xlane v5, v2;
	v6 =	vadd.s32 v1, v6;
	_ =	sdelay $0x1  }
0x32: {  	v5 =	vadd.s32 v1, v5;
	_ =	sdelay $0x1  }
0x33: {  	s24 =	simm.s32 $0x2100  }
0x34: {  	[tilespmem:s24], [sflag:$0x1] =	stream.indirect_vreg.gather [hbm4b:s1+s3], $0x80, v6, vm0, $0xb8;
	[tilespmem:$0x12100] =	vst v63  }
0x35: {  	s24 =	simm.s32 $0x2900  }
0x36: {  	[tilespmem:s24], [sflag:$0x1] =	stream.indirect_vreg.gather [hbm4b:s1+s3], $0x80, v5, vm0, $0xb8;
	[tilespmem:$0x12100] =	vst v63  }
0x37: {  	v5 =	vld [tilespmem:$0x30];
	_ =	sdelay $0x4  }
0x38: {  	v6 =	vshll.u32 v5, $0x1  }
0x39: {  	v5 =	vand.u32 $0x7, v5;
	v6 =	vand.u32 $0xFFFFFFF0, v6  }
0x3a: {  	v5 =	vor.u32 v5, v6  }
0x3b: {  	v6 =	vperm.xlane v5, v0;
	_ =	sdelay $0x1  }
0x3c: {  	v5 =	vperm.xlane v5, v2;
	v6 =	vadd.s32 v1, v6;
	_ =	sdelay $0x1  }
0x3d: {  	v5 =	vadd.s32 v1, v5;
	_ =	sdelay $0x1  }
0x3e: {  	s24 =	simm.s32 $0x3100  }
0x3f: {  	[tilespmem:s24], [sflag:$0x1] =	stream.indirect_vreg.gather [hbm4b:s1+s3], $0x80, v6, vm0, $0xb8;
	[tilespmem:$0x12100] =	vst v63  }
0x40: {  	s24 =	simm.s32 $0x3900  }
0x41: {  	[tilespmem:s24], [sflag:$0x1] =	stream.indirect_vreg.gather [hbm4b:s1+s3], $0x80, v5, vm0, $0xb8;
	[tilespmem:$0x12100] =	vst v63  }
0x42: {  	v5 =	vld [tilespmem:$0x40];
	_ =	sdelay $0x4  }
0x43: {  	v6 =	vshll.u32 v5, $0x1  }
0x44: {  	v5 =	vand.u32 $0x7, v5;
	v6 =	vand.u32 $0xFFFFFFF0, v6  }
0x45: {  	v5 =	vor.u32 v5, v6  }
0x46: {  	v6 =	vperm.xlane v5, v0;
	_ =	sdelay $0x1  }
0x47: {  	v5 =	vperm.xlane v5, v2;
	v6 =	vadd.s32 v1, v6;
	_ =	sdelay $0x1  }
0x48: {  	v5 =	vadd.s32 v1, v5;
	_ =	sdelay $0x1  }
0x49: {  	s24 =	simm.s32 $0x4100  }
0x4a: {  	[tilespmem:s24], [sflag:$0x1] =	stream.indirect_vreg.gather [hbm4b:s1+s3], $0x80, v6, vm0, $0xb8;
	[tilespmem:$0x12100] =	vst v63  }
0x4b: {  	s24 =	simm.s32 $0x4900  }
0x4c: {  	[tilespmem:s24], [sflag:$0x1] =	stream.indirect_vreg.gather [hbm4b:s1+s3], $0x80, v5, vm0, $0xb8;
	[tilespmem:$0x12100] =	vst v63  }
0x4d: {  	v5 =	vld [tilespmem:$0x50];
	_ =	sdelay $0x4  }
0x4e: {  	v6 =	vshll.u32 v5, $0x1  }
0x4f: {  	v5 =	vand.u32 $0x7, v5;
	v6 =	vand.u32 $0xFFFFFFF0, v6  }
0x50: {  	v5 =	vor.u32 v5, v6  }
0x51: {  	v6 =	vperm.xlane v5, v0;
	_ =	sdelay $0x1  }
0x52: {  	v5 =	vperm.xlane v5, v2;
	v6 =	vadd.s32 v1, v6;
	_ =	sdelay $0x1  }
0x53: {  	v5 =	vadd.s32 v1, v5;
	_ =	sdelay $0x1  }
0x54: {  	s24 =	simm.s32 $0x5100  }
0x55: {  	[tilespmem:s24], [sflag:$0x1] =	stream.indirect_vreg.gather [hbm4b:s1+s3], $0x80, v6, vm0, $0xb8;
	[tilespmem:$0x12100] =	vst v63  }
0x56: {  	s24 =	simm.s32 $0x5900  }
0x57: {  	[tilespmem:s24], [sflag:$0x1] =	stream.indirect_vreg.gather [hbm4b:s1+s3], $0x80, v5, vm0, $0xb8;
	[tilespmem:$0x12100] =	vst v63  }
0x58: {  	v5 =	vld [tilespmem:$0x60];
	_ =	sdelay $0x4  }
0x59: {  	v6 =	vshll.u32 v5, $0x1  }
0x5a: {  	v5 =	vand.u32 $0x7, v5;
	v6 =	vand.u32 $0xFFFFFFF0, v6  }
0x5b: {  	v5 =	vor.u32 v5, v6  }
0x5c: {  	v6 =	vperm.xlane v5, v0;
	_ =	sdelay $0x1  }
0x5d: {  	v5 =	vperm.xlane v5, v2;
	v6 =	vadd.s32 v1, v6;
	_ =	sdelay $0x1  }
0x5e: {  	v5 =	vadd.s32 v1, v5;
	_ =	sdelay $0x1  }
0x5f: {  	s24 =	simm.s32 $0x6100  }
0x60: {  	[tilespmem:s24], [sflag:$0x1] =	stream.indirect_vreg.gather [hbm4b:s1+s3], $0x80, v6, vm0, $0xb8;
	[tilespmem:$0x12100] =	vst v63  }
0x61: {  	s24 =	simm.s32 $0x6900  }
0x62: {  	[tilespmem:s24], [sflag:$0x1] =	stream.indirect_vreg.gather [hbm4b:s1+s3], $0x80, v5, vm0, $0xb8;
	[tilespmem:$0x12100] =	vst v63  }
0x63: {  	v5 =	vld [tilespmem:$0x70];
	_ =	sdelay $0x4  }
0x64: {  	v6 =	vshll.u32 v5, $0x1  }
0x65: {  	v5 =	vand.u32 $0x7, v5;
	v6 =	vand.u32 $0xFFFFFFF0, v6  }
0x66: {  	v5 =	vor.u32 v5, v6  }
0x67: {  	v6 =	vperm.xlane v5, v0;
	_ =	sdelay $0x1  }
0x68: {  	v5 =	vperm.xlane v5, v2;
	v6 =	vadd.s32 v1, v6;
	_ =	sdelay $0x1  }
0x69: {  	v5 =	vadd.s32 v1, v5;
	_ =	sdelay $0x1  }
0x6a: {  	s24 =	simm.s32 $0x7100  }
0x6b: {  	[tilespmem:s24], [sflag:$0x1] =	stream.indirect_vreg.gather [hbm4b:s1+s3], $0x80, v6, vm0, $0xb8;
	[tilespmem:$0x12100] =	vst v63  }
0x6c: {  	s24 =	simm.s32 $0x7900  }
0x6d: {  	[tilespmem:s24], [sflag:$0x1] =	stream.indirect_vreg.gather [hbm4b:s1+s3], $0x80, v5, vm0, $0xb8;
	[tilespmem:$0x12100] =	vst v63  }
0x6e: {  	v5 =	vld [tilespmem:$0x80];
	_ =	sdelay $0x4  }
0x6f: {  	v6 =	vshll.u32 v5, $0x1  }
0x70: {  	v5 =	vand.u32 $0x7, v5;
	v6 =	vand.u32 $0xFFFFFFF0, v6  }
0x71: {  	v5 =	vor.u32 v5, v6  }
0x72: {  	v6 =	vperm.xlane v5, v0;
	_ =	sdelay $0x1  }
0x73: {  	v5 =	vperm.xlane v5, v2;
	v6 =	vadd.s32 v1, v6;
	_ =	sdelay $0x1  }
0x74: {  	v5 =	vadd.s32 v1, v5;
	_ =	sdelay $0x2  }
0x75: {  	[tilespmem:s25], [sflag:$0x1] =	stream.indirect_vreg.gather [hbm4b:s1+s3], $0x80, v6, vm0, $0xb8;
	[tilespmem:$0x12100] =	vst v63  }
0x76: {  	_ = 	snop  }
0x77: {  	[tilespmem:s26], [sflag:$0x1] =	stream.indirect_vreg.gather [hbm4b:s1+s3], $0x80, v5, vm0, $0xb8;
	[tilespmem:$0x12100] =	vst v63  }
0x78: {  	v5 =	vld [tilespmem:$0x90];
	_ =	sdelay $0x4  }
0x79: {  	v6 =	vshll.u32 v5, $0x1  }
0x7a: {  	v5 =	vand.u32 $0x7, v5;
	v6 =	vand.u32 $0xFFFFFFF0, v6  }
0x7b: {  	v5 =	vor.u32 v5, v6  }
0x7c: {  	v6 =	vperm.xlane v5, v0;
	_ =	sdelay $0x1  }
0x7d: {  	v5 =	vperm.xlane v5, v2;
	v6 =	vadd.s32 v1, v6;
	_ =	sdelay $0x1  }
0x7e: {  	v5 =	vadd.s32 v1, v5;
	_ =	sdelay $0x2  }
0x7f: {  	[tilespmem:s28], [sflag:$0x1] =	stream.indirect_vreg.gather [hbm4b:s1+s3], $0x80, v6, vm0, $0xb8;
	[tilespmem:$0x12100] =	vst v63  }
0x80: {  	_ = 	snop  }
0x81: {  	[tilespmem:s29], [sflag:$0x1] =	stream.indirect_vreg.gather [hbm4b:s1+s3], $0x80, v5, vm0, $0xb8;
	[tilespmem:$0x12100] =	vst v63  }
0x82: {  	v5 =	vld [tilespmem:$0xA0];
	_ =	sdelay $0x4  }
0x83: {  	v6 =	vshll.u32 v5, $0x1  }
0x84: {  	v5 =	vand.u32 $0x7, v5;
	v6 =	vand.u32 $0xFFFFFFF0, v6  }
0x85: {  	v5 =	vor.u32 v5, v6  }
0x86: {  	v6 =	vperm.xlane v5, v0;
	_ =	sdelay $0x1  }
0x87: {  	v5 =	vperm.xlane v5, v2;
	v6 =	vadd.s32 v1, v6;
	_ =	sdelay $0x1  }
0x88: {  	v5 =	vadd.s32 v1, v5;
	_ =	sdelay $0x2  }
0x89: {  	[tilespmem:s30], [sflag:$0x1] =	stream.indirect_vreg.gather [hbm4b:s1+s3], $0x80, v6, vm0, $0xb8;
	[tilespmem:$0x12100] =	vst v63  }
0x8a: {  	_ = 	snop  }
0x8b: {  	[tilespmem:s31], [sflag:$0x1] =	stream.indirect_vreg.gather [hbm4b:s1+s3], $0x80, v5, vm0, $0xb8;
	[tilespmem:$0x12100] =	vst v63  }
0x8c: {  	v5 =	vld [tilespmem:$0xB0];
	_ =	sdelay $0x4  }
0x8d: {  	v6 =	vshll.u32 v5, $0x1  }
0x8e: {  	v5 =	vand.u32 $0x7, v5;
	v6 =	vand.u32 $0xFFFFFFF0, v6  }
0x8f: {  	v5 =	vor.u32 v5, v6  }
0x90: {  	v6 =	vperm.xlane v5, v0;
	_ =	sdelay $0x1  }
0x91: {  	v5 =	vperm.xlane v5, v2;
	v6 =	vadd.s32 v1, v6;
	_ =	sdelay $0x1  }
0x92: {  	v5 =	vadd.s32 v1, v5;
	_ =	sdelay $0x2  }
0x93: {  	[tilespmem:s2], [sflag:$0x1] =	stream.indirect_vreg.gather [hbm4b:s1+s3], $0x80, v6, vm0, $0xb8;
	[tilespmem:$0x12100] =	vst v63  }
0x94: {  	_ = 	snop  }
0x95: {  	[tilespmem:s0], [sflag:$0x1] =	stream.indirect_vreg.gather [hbm4b:s1+s3], $0x80, v5, vm0, $0xb8;
	[tilespmem:$0x12100] =	vst v63  }
0x96: {  	v5 =	vld [tilespmem:$0xC0];
	_ =	sdelay $0x4  }
0x97: {  	v6 =	vshll.u32 v5, $0x1  }
0x98: {  	v5 =	vand.u32 $0x7, v5;
	v6 =	vand.u32 $0xFFFFFFF0, v6  }
0x99: {  	v5 =	vor.u32 v5, v6  }
0x9a: {  	v6 =	vperm.xlane v5, v0;
	_ =	sdelay $0x1  }
0x9b: {  	v5 =	vperm.xlane v5, v2;
	v6 =	vadd.s32 v1, v6;
	_ =	sdelay $0x1  }
0x9c: {  	v5 =	vadd.s32 v1, v5;
	_ =	sdelay $0x2  }
0x9d: {  	[tilespmem:s10], [sflag:$0x1] =	stream.indirect_vreg.gather [hbm4b:s1+s3], $0x80, v6, vm0, $0xb8;
	[tilespmem:$0x12100] =	vst v63  }
0x9e: {  	_ = 	snop  }
0x9f: {  	[tilespmem:s11], [sflag:$0x1] =	stream.indirect_vreg.gather [hbm4b:s1+s3], $0x80, v5, vm0, $0xb8;
	[tilespmem:$0x12100] =	vst v63  }
0xa0: {  	v5 =	vld [tilespmem:$0xD0];
	_ =	sdelay $0x4  }
0xa1: {  	v6 =	vshll.u32 v5, $0x1  }
0xa2: {  	v5 =	vand.u32 $0x7, v5;
	v6 =	vand.u32 $0xFFFFFFF0, v6  }
0xa3: {  	v5 =	vor.u32 v5, v6  }
0xa4: {  	v6 =	vperm.xlane v5, v0;
	_ =	sdelay $0x1  }
0xa5: {  	v5 =	vperm.xlane v5, v2;
	v6 =	vadd.s32 v1, v6;
	_ =	sdelay $0x1  }
0xa6: {  	v5 =	vadd.s32 v1, v5;
	_ =	sdelay $0x2  }
0xa7: {  	[tilespmem:s12], [sflag:$0x1] =	stream.indirect_vreg.gather [hbm4b:s1+s3], $0x80, v6, vm0, $0xb8;
	[tilespmem:$0x12100] =	vst v63  }
0xa8: {  	_ = 	snop  }
0xa9: {  	[tilespmem:s13], [sflag:$0x1] =	stream.indirect_vreg.gather [hbm4b:s1+s3], $0x80, v5, vm0, $0xb8;
	[tilespmem:$0x12100] =	vst v63  }
0xaa: {  	v5 =	vld [tilespmem:$0xE0];
	_ =	sdelay $0x4  }
0xab: {  	v6 =	vshll.u32 v5, $0x1  }
0xac: {  	v5 =	vand.u32 $0x7, v5;
	v6 =	vand.u32 $0xFFFFFFF0, v6  }
0xad: {  	v5 =	vor.u32 v5, v6  }
0xae: {  	v6 =	vperm.xlane v5, v0;
	_ =	sdelay $0x1  }
0xaf: {  	v5 =	vperm.xlane v5, v2;
	v6 =	vadd.s32 v1, v6;
	_ =	sdelay $0x1  }
0xb0: {  	v5 =	vadd.s32 v1, v5;
	_ =	sdelay $0x2  }
0xb1: {  	[tilespmem:s14], [sflag:$0x1] =	stream.indirect_vreg.gather [hbm4b:s1+s3], $0x80, v6, vm0, $0xb8;
	[tilespmem:$0x12100] =	vst v63  }
0xb2: {  	_ = 	snop  }
0xb3: {  	[tilespmem:s15], [sflag:$0x1] =	stream.indirect_vreg.gather [hbm4b:s1+s3], $0x80, v5, vm0, $0xb8;
	[tilespmem:$0x12100] =	vst v63  }
0xb4: {  	v5 =	vld [tilespmem:$0xF0];
	_ =	sdelay $0x4  }
0xb5: {  	v6 =	vshll.u32 v5, $0x1  }
0xb6: {  	v5 =	vand.u32 $0x7, v5;
	v6 =	vand.u32 $0xFFFFFFF0, v6  }
0xb7: {  	v5 =	vor.u32 v5, v6  }
0xb8: {  	v6 =	vperm.xlane v5, v0;
	_ =	sdelay $0x1  }
0xb9: {  	v5 =	vperm.xlane v5, v2;
	v6 =	vadd.s32 v1, v6;
	_ =	sdelay $0x1  }
0xba: {  	v5 =	vadd.s32 v1, v5;
	_ =	sdelay $0x2  }
0xbb: {  	[tilespmem:s16], [sflag:$0x1] =	stream.indirect_vreg.gather [hbm4b:s1+s3], $0x80, v6, vm0, $0xb8;
	[tilespmem:$0x12100] =	vst v63  }
0xbc: {  	_ = 	snop  }
0xbd: {  	[tilespmem:s17], [sflag:$0x1] =	stream.indirect_vreg.gather [hbm4b:s1+s3], $0x80, v5, vm0, $0xb8;
	[tilespmem:$0x12100] =	vst v63  }
0xbe: {  	_ =	swait.ge [sflag:s18], $0x10000  }
0xbf: {  	[sflag:s18] =	ssyncset.done $0x0  }
0xc0: {  	[sflag:s18] =	ssyncadd.s32 $0xFFFF0000  }
0xc1: {  	[hbm4b:s5+s3] =	stream.linear.scatter [tilespmem:s9], [sflag:$0x2], $0x10000, $0x38;
	[tilespmem:$0x12100] =	vst v63  }
0xc2: {  	_ =	swait.ge [sflag:s8], $0x10000  }
0xc3: {  	[sflag:s8] =	ssyncset.done $0x0  }
0xc4: {  	s23 =	simm.s32 $0x40;
	s24 =	simm.s32 $0x0;
	[sflag:s8] =	ssyncadd.s32 $0xFFFF0000  }
.LBB2_2:
0xc5: {  	p0 =	sne.s32 s23, $0x7FC0;
	[tilespmem:s24+$0x10100] =	vst v3;
	s24 =	smov.u32 s23;
	s23 =	sadd.s32 $0x40, s23  }
.Ltmp0:
0xc6: {  	(pc) =	sbr.rel @p0 .LBB2_2-.Ltmp0, $2  }
0xc7: {  	_ =	sdelay $0x2  }
0xc8: {  	s24 =	sshra.s32 s24, $0x2  }
0xc9: {  	[tilespmem:s24+$0x10100] =	vst v3  }
0xca: {  	v5 =	vld [tilespmem:$0x0];
	_ =	sdelay $0x7  }
0xcb: {  	[tilespmem:v5+s19+$0x0] =	vst.idx.add.s32.msk $0xffff, v4  }
0xcc: {  	v5 =	vld [tilespmem:$0x10];
	_ =	sdelay $0x7  }
0xcd: {  	[tilespmem:v5+s19+$0x0] =	vst.idx.add.s32.msk $0xffff, v4  }
0xce: {  	v5 =	vld [tilespmem:$0x20];
	_ =	sdelay $0x7  }
0xcf: {  	[tilespmem:v5+s19+$0x0] =	vst.idx.add.s32.msk $0xffff, v4  }
0xd0: {  	v5 =	vld [tilespmem:$0x30];
	_ =	sdelay $0x7  }
0xd1: {  	[tilespmem:v5+s19+$0x0] =	vst.idx.add.s32.msk $0xffff, v4  }
0xd2: {  	v5 =	vld [tilespmem:$0x40];
	_ =	sdelay $0x7  }
0xd3: {  	[tilespmem:v5+s19+$0x0] =	vst.idx.add.s32.msk $0xffff, v4  }
0xd4: {  	v5 =	vld [tilespmem:$0x50];
	_ =	sdelay $0x7  }
0xd5: {  	[tilespmem:v5+s19+$0x0] =	vst.idx.add.s32.msk $0xffff, v4  }
0xd6: {  	v5 =	vld [tilespmem:$0x60];
	_ =	sdelay $0x7  }
0xd7: {  	[tilespmem:v5+s19+$0x0] =	vst.idx.add.s32.msk $0xffff, v4  }
0xd8: {  	v5 =	vld [tilespmem:$0x70];
	_ =	sdelay $0x7  }
0xd9: {  	[tilespmem:v5+s19+$0x0] =	vst.idx.add.s32.msk $0xffff, v4  }
0xda: {  	v5 =	vld [tilespmem:$0x80];
	_ =	sdelay $0x7  }
0xdb: {  	[tilespmem:v5+s19+$0x0] =	vst.idx.add.s32.msk $0xffff, v4  }
0xdc: {  	v5 =	vld [tilespmem:$0x90];
	_ =	sdelay $0x7  }
0xdd: {  	[tilespmem:v5+s19+$0x0] =	vst.idx.add.s32.msk $0xffff, v4  }
0xde: {  	v5 =	vld [tilespmem:$0xA0];
	_ =	sdelay $0x7  }
0xdf: {  	[tilespmem:v5+s19+$0x0] =	vst.idx.add.s32.msk $0xffff, v4  }
0xe0: {  	v5 =	vld [tilespmem:$0xB0];
	_ =	sdelay $0x7  }
0xe1: {  	[tilespmem:v5+s19+$0x0] =	vst.idx.add.s32.msk $0xffff, v4  }
0xe2: {  	v5 =	vld [tilespmem:$0xC0];
	_ =	sdelay $0x7  }
0xe3: {  	[tilespmem:v5+s19+$0x0] =	vst.idx.add.s32.msk $0xffff, v4  }
0xe4: {  	v5 =	vld [tilespmem:$0xD0];
	_ =	sdelay $0x7  }
0xe5: {  	[tilespmem:v5+s19+$0x0] =	vst.idx.add.s32.msk $0xffff, v4  }
0xe6: {  	v5 =	vld [tilespmem:$0xE0];
	_ =	sdelay $0x7  }
0xe7: {  	[tilespmem:v5+s19+$0x0] =	vst.idx.add.s32.msk $0xffff, v4  }
0xe8: {  	v5 =	vld [tilespmem:$0xF0];
	_ =	sdelay $0x5  }
0xe9: {  	s22 =	sadd.s32 $0x1, s22  }
0xea: {  	p0 =	sne.s32 s22, s7  }
.Ltmp1:
0xeb: {  	[tilespmem:v5+s19+$0x0] =	vst.idx.add.s32.msk $0xffff, v4;
	(pc) =	sbr.rel @p0 .LBB2_1-.Ltmp1, $4  }
0xec: {  	[hbm4b:s6+s20] =	stream.strided.scatter [tilespmem:s19], [sflag:$0x2], $0x2000, s21, s20, $0x38;
	[tilespmem:$0x12100] =	vst v63  }
0xed: {  	_ =	swait.ge [sflag:s8], $0x2000  }
0xee: {  	[sflag:s8] =	ssyncset.done $0x0  }
0xef: {  	[sflag:s8] =	ssyncadd.s32 $0xFFFFE000  }
0xf0: {  	_ =	sfence.sel $0x180000  }
0xf1: {  	[bflag:$0x0] =	sbarrier.arrive $0xFFFF  }
0xf2: {  	_ =	strace $0x90000047  }
0xf3: {  	s0 =	stileid.u32;
	[bflag:$0x2] =	sbarrier.arrive $0xFFFF  }
0xf4: {  	p0 =	sne.s32 s0, $0x0;
	s0 =	rddreg [dreg:$0x4]  }
0xf5: {  	s0 =	sadd.s32 @!p0 $0x100000, s0  }
0xf6: {  	[sflag:s0] =	ssyncadd.tile.s32 @!p0 $0x1;
	_ =	shalt  }
.Lfunc_end2:
_tile_overlayer_lowered:
.L_overlay_start_2:
0xf7: {  	(tag) =	ssettag $0x2  }
0xf8: {  	s0 =	rddreg [dreg:$0x0];
	s2 =	stileid.u32  }
0xf9: {  	s1 =	rddreg [dreg:$0x1];
	p0 =	sne.s32 s2, $0x0  }
0xfa: {  	s3 =	rddreg [dreg:$0x2];
	[bflag:$0x3] =	sbarrier.arrive $0xFFFF;
	s2 =	simm.s32 @!p0 $0x1C02  }
0xfb: {  	[timem:s3], [sflag:s2] =	dma.local @!p0 [hbm:s0], s1  }
0xfc: {  	s0 =	simm.s32 @!p0 $0x2  }
0xfd: {  	_ =	swait.ge @!p0 [sflag:s0], s1  }
0xfe: {  	s1 =	ssub.s32 @!p0 $0x0, s1;
	[sflag:s0] =	ssyncset.done @!p0 $0x0  }
0xff: {  	[sflag:s0] =	ssyncadd.s32 @!p0 s1  }
0x100: {  	[bflag:$0x3] =	sbarrier.arrive $0xFFFF  }
0x101: {  	_ =	shalt  }

</sc_bundles>
